<compile_context>
chip_gen: v7x
topology: tpu7x:2x2x1
jax: 0.10.2.dev20260603
libtpu: 0.0.44.dev20260713+nightly
codegen_flags: <defaults>
</compile_context>

<pallas_src>
import functools

import jax
import jax.numpy as jnp
from jax import lax
from jax.experimental import pallas as pl
from jax.experimental.pallas import tpu as pltpu
from jax.experimental.pallas import tpu_sc as plsc

_NC = 2
_NS = 16
_NW = _NC * _NS
_BT = 128


@functools.partial(jax.jit, static_argnums=(2, 3, 4))
def _sc_gather_t(idxp, w_wide, h, b, d):
  n_units = h * (b // _BT)
  upw = n_units // _NW
  mesh = plsc.VectorSubcoreMesh(
      core_axis_name="c", subcore_axis_name="s", num_cores=_NC,
      num_subcores=_NS)

  @functools.partial(
      pl.kernel,
      out_type=jax.ShapeDtypeStruct((h, d, b), jnp.float32),
      mesh=mesh,
      scratch_types=[
          pltpu.VMEM((upw, _BT), jnp.int32),
          pltpu.VMEM((_BT, 128), jnp.float32),
          pltpu.VMEM((_BT, 128), jnp.float32),
          pltpu.VMEM((d, _BT), jnp.float32),
          pltpu.VMEM((d, _BT), jnp.float32),
          [pltpu.SemaphoreType.DMA] * 2,
          [pltpu.SemaphoreType.DMA] * 2,
      ],
      compiler_params=pltpu.CompilerParams(
          use_tc_tiling_on_sc=True, needs_layout_passes=False),
  )
  def grab(idx_hbm, w_hbm, out_hbm, idx_v, p0, p1, o0, o1, gsems, ssems):
    wid = lax.axis_index("s") * _NC + lax.axis_index("c")
    pltpu.sync_copy(idx_hbm.at[wid], idx_v)
    pbufs = (p0, p1)
    obufs = (o0, o1)
    base_iota = jax.lax.iota(jnp.int32, 16)
    rows16 = [base_iota + i0 * 16 for i0 in range(8)]

    def out_slice(u):
      g = wid * upw + u
      hh = g // (b // _BT)
      bt = g % (b // _BT)
      return out_hbm.at[hh, :, pl.ds(bt * _BT, _BT)]

    for s in range(2):
      pltpu.async_copy(w_hbm.at[idx_v.at[s]], pbufs[s], gsems[s])

    @pl.loop(0, upw // 2)
    def _(up):
      for s in range(2):
        u = up * 2 + s
        pltpu.make_async_copy(
            w_hbm.at[idx_v.at[u]], pbufs[s], gsems[s]).wait()

        @pl.when(u >= 2)
        def _():
          pltpu.make_async_copy(obufs[s], out_slice(u - 2), ssems[s]).wait()

        @functools.partial(plsc.parallel_loop, 0, d, unroll=4)
        def _(dd):
          col16 = jnp.full((16,), dd, jnp.int32)
          for i0 in range(8):
            v16 = plsc.load_gather(pbufs[s], [rows16[i0], col16])
            obufs[s][dd, pl.ds(i0 * 16, 16)] = v16

        pltpu.async_copy(obufs[s], out_slice(u), ssems[s])

        @pl.when(u + 2 < upw)
        def _():
          pltpu.async_copy(w_hbm.at[idx_v.at[u + 2]], pbufs[s], gsems[s])

    for s in range(2):
      u = upw - 2 + s
      pltpu.make_async_copy(obufs[s], out_slice(u), ssems[s]).wait()

  return grab(idxp, w_wide)


def kernel(input_, weight):
  b, h = input_.shape
  v, d = weight.shape
  n_units = h * (b // _BT)
  idxp = input_.T.reshape(_NW, n_units // _NW, _BT)
  w_wide = jnp.pad(weight, ((0, 0), (0, 128 - d)))
  out_t = _sc_gather_t(idxp, w_wide, h, b, d)
  return out_t.transpose(2, 0, 1)

# --- scband reference (transcript-rebuilt; emitter-appended) ---
"""Pipeline reference for scband-vocab-parallel-embedding-10247791968891 (READ-ONLY COPY).

The authoritative reference and input builder live on the scoring server;
editing this copy changes nothing except your own understanding.
"""

import jax, jax.numpy as jnp
import numpy as np

NUM_EMBEDDINGS = 1000000
EMBEDDING_DIM = 64
BATCH = 16384
HIST = 50


def setup_inputs(seed: int = 0) -> dict:
    key = jax.random.key(seed)
    k_idx, k_w = jax.random.split(key)
    input_ = jax.random.randint(k_idx, (BATCH, HIST), 0, NUM_EMBEDDINGS, dtype=jnp.int32)
    # xavier_normal_ init for the embedding table: std = sqrt(2 / (fan_in + fan_out))
    std = float(np.sqrt(2.0 / (NUM_EMBEDDINGS + EMBEDDING_DIM)))
    weight = jax.random.normal(k_w, (NUM_EMBEDDINGS, EMBEDDING_DIM), dtype=jnp.float32) * std
    return {"input_": input_, "weight": weight}


def reference(input_, weight):
    # tensor_model_parallel_size == 1 path: masked_input = input_, plain F.embedding,
    # and reduce_from_tensor_model_parallel_region is identity for world_size 1.
    output = jnp.take(weight, input_, axis=0)
    return output

if __name__ == "__main__":
    import jax
    _d = setup_inputs()
    print(jax.jit(kernel)(*tuple(_d.values())))

</pallas_src>

<mosaic_0001>
#map = affine_map<(d0, d1) -> (0, 0, 0)>
#map1 = affine_map<(d0, d1) -> (0, 0)>
module attributes {stable_mosaic.version = 14 : i64} {
  func.func @grab(%arg0: i32, %arg1: i32, %arg2: memref<32x200x128xi32, #tpu.memory_space<hbm>>, %arg3: memref<1000000x128xf32, #tpu.memory_space<hbm>>, %arg4: memref<50x64x16384xf32, #tpu.memory_space<hbm>>, %arg5: memref<200x128xi32, #tpu.memory_space<vmem>>, %arg6: memref<128x128xf32, #tpu.memory_space<vmem>>, %arg7: memref<128x128xf32, #tpu.memory_space<vmem>>, %arg8: memref<64x128xf32, #tpu.memory_space<vmem>>, %arg9: memref<64x128xf32, #tpu.memory_space<vmem>>, %arg10: memref<!tpu.dma_semaphore, #tpu.memory_space<semaphore_mem>>, %arg11: memref<!tpu.dma_semaphore, #tpu.memory_space<semaphore_mem>>, %arg12: memref<!tpu.dma_semaphore, #tpu.memory_space<semaphore_mem>>, %arg13: memref<!tpu.dma_semaphore, #tpu.memory_space<semaphore_mem>>) attributes {dimension_semantics = [#tpu.dimension_semantics<core_parallel>, #tpu.dimension_semantics<subcore_parallel>], iteration_bounds = array<i64: 2, 16>, scalar_prefetch = 0 : i64, scratch_operands = 9 : i64, tpu.core_type = #tpu.core_type<sc_vector_subcore>, window_params = [{transform_indices = #map}, {transform_indices = #map1}, {transform_indices = #map}]} {
    %mul3A = arith.constant 2 : i32
    %mul3A_0 = arith.muli %arg1, %mul3A : i32
    %add3A = arith.addi %mul3A_0, %arg0 : i32
    "tpu.region"() ({
      %run_scoped3A = tpu.sem_alloc : memref<!tpu.dma_semaphore, #tpu.memory_space<semaphore_mem>>
      %dma_start3A_135 = arith.constant 0 : i32
      %dma_start3A_136 = arith.constant 0 : i32
      %dma_start3A_137 = tpu.memref_slice %arg2[%add3A, %dma_start3A_135, %dma_start3A_136] : memref<32x200x128xi32, #tpu.memory_space<hbm>> -> memref<1x200x128xi32, #tpu.memory_space<hbm>>
      %dma_start3A_138 = tpu.memref_squeeze %dma_start3A_137 : memref<1x200x128xi32, #tpu.memory_space<hbm>> -> memref<200x128xi32, #tpu.memory_space<hbm>>
      %dma_start3A_139 = arith.constant 0 : i32
      %dma_start3A_140 = arith.constant 0 : i32
      %dma_start3A_141 = tpu.memref_slice %arg2[%add3A, %dma_start3A_139, %dma_start3A_140] : memref<32x200x128xi32, #tpu.memory_space<hbm>> -> memref<1x200x128xi32, #tpu.memory_space<hbm>>
      %dma_start3A_142 = tpu.memref_squeeze %dma_start3A_141 : memref<1x200x128xi32, #tpu.memory_space<hbm>> -> memref<200x128xi32, #tpu.memory_space<hbm>>
      tpu.enqueue_dma source(%dma_start3A_142 : memref<200x128xi32, #tpu.memory_space<hbm>>) target(%arg5 : memref<200x128xi32, #tpu.memory_space<vmem>>) target_semaphore(%run_scoped3A : memref<!tpu.dma_semaphore, #tpu.memory_space<semaphore_mem>>)
      %dma_wait3A_143 = arith.constant 0 : i32
      %dma_wait3A_144 = arith.constant 0 : i32
      %dma_wait3A_145 = tpu.memref_slice %arg2[%add3A, %dma_wait3A_143, %dma_wait3A_144] : memref<32x200x128xi32, #tpu.memory_space<hbm>> -> memref<1x200x128xi32, #tpu.memory_space<hbm>>
      %dma_wait3A_146 = tpu.memref_squeeze %dma_wait3A_145 : memref<1x200x128xi32, #tpu.memory_space<hbm>> -> memref<200x128xi32, #tpu.memory_space<hbm>>
      %dma_wait3A_147 = arith.constant 0 : i32
      %dma_wait3A_148 = arith.constant 0 : i32
      %dma_wait3A_149 = tpu.memref_slice %arg2[%add3A, %dma_wait3A_147, %dma_wait3A_148] : memref<32x200x128xi32, #tpu.memory_space<hbm>> -> memref<1x200x128xi32, #tpu.memory_space<hbm>>
      %dma_wait3A_150 = tpu.memref_squeeze %dma_wait3A_149 : memref<1x200x128xi32, #tpu.memory_space<hbm>> -> memref<200x128xi32, #tpu.memory_space<hbm>>
      tpu.wait_dma2 semaphore(%run_scoped3A : memref<!tpu.dma_semaphore, #tpu.memory_space<semaphore_mem>>) src(%dma_wait3A_150 : memref<200x128xi32, #tpu.memory_space<hbm>>) dst(%arg5 : memref<200x128xi32, #tpu.memory_space<vmem>>)
      tpu.yield
    }) : () -> ()
    %iota3A = tpu.iota {dimensions = array<i32: 0>} : vector<16xi32>
    %add3A_1 = arith.constant 0 : i32
    %add3A_2 = vector.broadcast %add3A_1 : i32 to vector<16xi32>
    %add3A_3 = arith.addi %iota3A, %add3A_2 : vector<16xi32>
    %add3A_4 = arith.constant 16 : i32
    %add3A_5 = vector.broadcast %add3A_4 : i32 to vector<16xi32>
    %add3A_6 = arith.addi %iota3A, %add3A_5 : vector<16xi32>
    %add3A_7 = arith.constant 32 : i32
    %add3A_8 = vector.broadcast %add3A_7 : i32 to vector<16xi32>
    %add3A_9 = arith.addi %iota3A, %add3A_8 : vector<16xi32>
    %add3A_10 = arith.constant 48 : i32
    %add3A_11 = vector.broadcast %add3A_10 : i32 to vector<16xi32>
    %add3A_12 = arith.addi %iota3A, %add3A_11 : vector<16xi32>
    %add3A_13 = arith.constant 64 : i32
    %add3A_14 = vector.broadcast %add3A_13 : i32 to vector<16xi32>
    %add3A_15 = arith.addi %iota3A, %add3A_14 : vector<16xi32>
    %add3A_16 = arith.constant 80 : i32
    %add3A_17 = vector.broadcast %add3A_16 : i32 to vector<16xi32>
    %add3A_18 = arith.addi %iota3A, %add3A_17 : vector<16xi32>
    %add3A_19 = arith.constant 96 : i32
    %add3A_20 = vector.broadcast %add3A_19 : i32 to vector<16xi32>
    %add3A_21 = arith.addi %iota3A, %add3A_20 : vector<16xi32>
    %add3A_22 = arith.constant 112 : i32
    %add3A_23 = vector.broadcast %add3A_22 : i32 to vector<16xi32>
    %add3A_24 = arith.addi %iota3A, %add3A_23 : vector<16xi32>
    %dma_start3A = arith.constant 0 : i32
    %dma_start3A_25 = arith.constant 0 : i32
    %dma_start3A_26 = tpu.memref_slice %arg5[%dma_start3A, %dma_start3A_25] : memref<200x128xi32, #tpu.memory_space<vmem>> -> memref<1x128xi32, #tpu.memory_space<vmem>>
    %dma_start3A_27 = tpu.memref_squeeze %dma_start3A_26 : memref<1x128xi32, #tpu.memory_space<vmem>> -> memref<128xi32, #tpu.memory_space<vmem>>
    %dma_start3A_28 = arith.constant 0 : i32
    %dma_start3A_29 = arith.constant 0 : i32
    %dma_start3A_30 = tpu.memref_slice %arg3[%dma_start3A_28, %dma_start3A_29] : memref<1000000x128xf32, #tpu.memory_space<hbm>> -> memref<1000000x128xf32, #tpu.memory_space<hbm>>
    tpu.enqueue_indirect_dma source(%dma_start3A_30 : memref<1000000x128xf32, #tpu.memory_space<hbm>>) target(%arg6 : memref<128x128xf32, #tpu.memory_space<vmem>>) offsets(%dma_start3A_27 : memref<128xi32, #tpu.memory_space<vmem>>) semaphore(%arg10 : memref<!tpu.dma_semaphore, #tpu.memory_space<semaphore_mem>>)
    %dma_start3A_31 = arith.constant 1 : i32
    %dma_start3A_32 = arith.constant 0 : i32
    %dma_start3A_33 = tpu.memref_slice %arg5[%dma_start3A_31, %dma_start3A_32] : memref<200x128xi32, #tpu.memory_space<vmem>> -> memref<1x128xi32, #tpu.memory_space<vmem>>
    %dma_start3A_34 = tpu.memref_squeeze %dma_start3A_33 : memref<1x128xi32, #tpu.memory_space<vmem>> -> memref<128xi32, #tpu.memory_space<vmem>>
    %dma_start3A_35 = arith.constant 0 : i32
    %dma_start3A_36 = arith.constant 0 : i32
    %dma_start3A_37 = tpu.memref_slice %arg3[%dma_start3A_35, %dma_start3A_36] : memref<1000000x128xf32, #tpu.memory_space<hbm>> -> memref<1000000x128xf32, #tpu.memory_space<hbm>>
    tpu.enqueue_indirect_dma source(%dma_start3A_37 : memref<1000000x128xf32, #tpu.memory_space<hbm>>) target(%arg7 : memref<128x128xf32, #tpu.memory_space<vmem>>) offsets(%dma_start3A_34 : memref<128xi32, #tpu.memory_space<vmem>>) semaphore(%arg11 : memref<!tpu.dma_semaphore, #tpu.memory_space<semaphore_mem>>)
    %scan3A = arith.constant 0 : i32
    %scan3A_38 = arith.constant 100 : i32
    %scan3A_39 = arith.addi %scan3A, %scan3A_38 : i32
    %scan3A_40 = arith.constant 1 : i32
    scf.for %scan3A_135 = %scan3A to %scan3A_39 step %scan3A_40  : i32 {
      %mul3A_136 = arith.constant 1 : i32
      %mul3A_137 = arith.muli %scan3A_135, %mul3A_136 : i32
      %add3A_138 = arith.constant 0 : i32
      %add3A_139 = arith.addi %add3A_138, %mul3A_137 : i32
      %mul3A_140 = arith.constant 2 : i32
      %mul3A_141 = arith.muli %add3A_139, %mul3A_140 : i32
      %add3A_142 = arith.constant 0 : i32
      %add3A_143 = arith.addi %mul3A_141, %add3A_142 : i32
      %dma_wait3A_144 = arith.constant 0 : i32
      %dma_wait3A_145 = tpu.memref_slice %arg5[%add3A_143, %dma_wait3A_144] : memref<200x128xi32, #tpu.memory_space<vmem>> -> memref<1x128xi32, #tpu.memory_space<vmem>>
      %dma_wait3A_146 = tpu.memref_squeeze %dma_wait3A_145 : memref<1x128xi32, #tpu.memory_space<vmem>> -> memref<128xi32, #tpu.memory_space<vmem>>
      %dma_wait3A_147 = arith.constant 0 : i32
      %dma_wait3A_148 = arith.constant 0 : i32
      %dma_wait3A_149 = tpu.memref_slice %arg3[%dma_wait3A_147, %dma_wait3A_148] : memref<1000000x128xf32, #tpu.memory_space<hbm>> -> memref<1000000x128xf32, #tpu.memory_space<hbm>>
      tpu.wait_indirect_dma semaphore(%arg10 : memref<!tpu.dma_semaphore, #tpu.memory_space<semaphore_mem>>) src(%dma_wait3A_149 : memref<1000000x128xf32, #tpu.memory_space<hbm>>) dst(%arg6 : memref<128x128xf32, #tpu.memory_space<vmem>>)
      %ge3A = arith.constant 2 : i32
      %ge3A_150 = arith.cmpi sge, %add3A_143, %ge3A : i32
      %convert_element_type3A = arith.extui %ge3A_150 : i1 to i32
      %cond3A = arith.constant 0 : i32
      %cond3A_151 = arith.cmpi ne, %convert_element_type3A, %cond3A : i32
      scf.if %cond3A_151 {
        %sub3A_283 = arith.constant 2 : i32
        %sub3A_284 = arith.subi %add3A_143, %sub3A_283 : i32
        %mul3A_285 = arith.constant 200 : i32
        %mul3A_286 = arith.muli %add3A, %mul3A_285 : i32
        %add3A_287 = arith.addi %mul3A_286, %sub3A_284 : i32
        %jit3A_288 = arith.constant 128 : i32
        %div3A_289 = arith.divsi %add3A_287, %jit3A_288 : i32
        %sign3A_290 = arith.constant 0 : i32
        %sign3A_291 = arith.cmpi sgt, %add3A_287, %sign3A_290 : i32
        %sign3A_292 = arith.extui %sign3A_291 : i1 to i32
        %sign3A_293 = arith.constant 0 : i32
        %sign3A_294 = arith.cmpi slt, %add3A_287, %sign3A_293 : i32
        %sign3A_295 = arith.extui %sign3A_294 : i1 to i32
        %sign3A_296 = arith.subi %sign3A_292, %sign3A_295 : i32
        %sign3A_297 = arith.constant 0 : i32
        %sign3A_298 = arith.cmpi sgt, %jit3A_288, %sign3A_297 : i32
        %sign3A_299 = arith.extui %sign3A_298 : i1 to i32
        %sign3A_300 = arith.constant 0 : i32
        %sign3A_301 = arith.cmpi slt, %jit3A_288, %sign3A_300 : i32
        %sign3A_302 = arith.extui %sign3A_301 : i1 to i32
        %sign3A_303 = arith.subi %sign3A_299, %sign3A_302 : i32
        %ne3A_304 = arith.cmpi ne, %sign3A_296, %sign3A_303 : i32
        %rem3A_305 = arith.remsi %add3A_287, %jit3A_288 : i32
        %ne3A_306 = arith.constant 0 : i32
        %ne3A_307 = arith.cmpi ne, %rem3A_305, %ne3A_306 : i32
        %and3A_308 = arith.andi %ne3A_304, %ne3A_307 : i1
        %sub3A_309 = arith.constant 1 : i32
        %sub3A_310 = arith.subi %div3A_289, %sub3A_309 : i32
        %select_n3A_311 = arith.select %and3A_308, %sub3A_310, %div3A_289 : i32
        %jit3A_312 = arith.constant 128 : i32
        %eq3A_313 = arith.constant 0 : i32
        %eq3A_314 = arith.cmpi eq, %jit3A_312, %eq3A_313 : i32
        %jit3A_315 = arith.constant 1 : i32
        %select_n3A_316 = arith.select %eq3A_314, %jit3A_315, %jit3A_312 : i32
        %rem3A_317 = arith.remsi %add3A_287, %select_n3A_316 : i32
        %ne3A_318 = arith.constant 0 : i32
        %ne3A_319 = arith.cmpi ne, %rem3A_317, %ne3A_318 : i32
        %lt3A_320 = arith.constant 0 : i32
        %lt3A_321 = arith.cmpi slt, %rem3A_317, %lt3A_320 : i32
        %lt3A_322 = arith.constant 0 : i32
        %lt3A_323 = arith.cmpi slt, %select_n3A_316, %lt3A_322 : i32
        %ne3A_324 = arith.xori %lt3A_321, %lt3A_323 : i1
        %and3A_325 = arith.andi %ne3A_324, %ne3A_319 : i1
        %add3A_326 = arith.addi %rem3A_317, %select_n3A_316 : i32
        %select_n3A_327 = arith.select %and3A_325, %add3A_326, %rem3A_317 : i32
        %mul3A_328 = arith.constant 128 : i32
        %mul3A_329 = arith.muli %select_n3A_327, %mul3A_328 : i32
        %dma_wait3A_330 = arith.constant 0 : i32
        %dma_wait3A_331 = tpu.memref_slice %arg4[%select_n3A_311, %dma_wait3A_330, %mul3A_329] : memref<50x64x16384xf32, #tpu.memory_space<hbm>> -> memref<1x64x128xf32, #tpu.memory_space<hbm>>
        %dma_wait3A_332 = tpu.memref_squeeze %dma_wait3A_331 : memref<1x64x128xf32, #tpu.memory_space<hbm>> -> memref<64x128xf32, #tpu.memory_space<hbm>>
        %dma_wait3A_333 = arith.constant 0 : i32
        %dma_wait3A_334 = tpu.memref_slice %arg4[%select_n3A_311, %dma_wait3A_333, %mul3A_329] : memref<50x64x16384xf32, #tpu.memory_space<hbm>> -> memref<1x64x128xf32, #tpu.memory_space<hbm>>
        %dma_wait3A_335 = tpu.memref_squeeze %dma_wait3A_334 : memref<1x64x128xf32, #tpu.memory_space<hbm>> -> memref<64x128xf32, #tpu.memory_space<hbm>>
        tpu.wait_dma2 semaphore(%arg12 : memref<!tpu.dma_semaphore, #tpu.memory_space<semaphore_mem>>) src(%arg8 : memref<64x128xf32, #tpu.memory_space<vmem>>) dst(%dma_wait3A_335 : memref<64x128xf32, #tpu.memory_space<hbm>>)
      } else {
      }
      %mul3A_152 = arith.constant 200 : i32
      %mul3A_153 = arith.muli %add3A, %mul3A_152 : i32
      %add3A_154 = arith.addi %mul3A_153, %add3A_143 : i32
      %jit3A_155 = arith.constant 128 : i32
      %div3A_156 = arith.divsi %add3A_154, %jit3A_155 : i32
      %sign3A_157 = arith.constant 0 : i32
      %sign3A_158 = arith.cmpi sgt, %add3A_154, %sign3A_157 : i32
      %sign3A_159 = arith.extui %sign3A_158 : i1 to i32
      %sign3A_160 = arith.constant 0 : i32
      %sign3A_161 = arith.cmpi slt, %add3A_154, %sign3A_160 : i32
      %sign3A_162 = arith.extui %sign3A_161 : i1 to i32
      %sign3A_163 = arith.subi %sign3A_159, %sign3A_162 : i32
      %sign3A_164 = arith.constant 0 : i32
      %sign3A_165 = arith.cmpi sgt, %jit3A_155, %sign3A_164 : i32
      %sign3A_166 = arith.extui %sign3A_165 : i1 to i32
      %sign3A_167 = arith.constant 0 : i32
      %sign3A_168 = arith.cmpi slt, %jit3A_155, %sign3A_167 : i32
      %sign3A_169 = arith.extui %sign3A_168 : i1 to i32
      %sign3A_170 = arith.subi %sign3A_166, %sign3A_169 : i32
      %ne3A_171 = arith.cmpi ne, %sign3A_163, %sign3A_170 : i32
      %rem3A_172 = arith.remsi %add3A_154, %jit3A_155 : i32
      %ne3A_173 = arith.constant 0 : i32
      %ne3A_174 = arith.cmpi ne, %rem3A_172, %ne3A_173 : i32
      %and3A_175 = arith.andi %ne3A_171, %ne3A_174 : i1
      %sub3A_176 = arith.constant 1 : i32
      %sub3A_177 = arith.subi %div3A_156, %sub3A_176 : i32
      %select_n3A_178 = arith.select %and3A_175, %sub3A_177, %div3A_156 : i32
      %jit3A_179 = arith.constant 128 : i32
      %eq3A_180 = arith.constant 0 : i32
      %eq3A_181 = arith.cmpi eq, %jit3A_179, %eq3A_180 : i32
      %jit3A_182 = arith.constant 1 : i32
      %select_n3A_183 = arith.select %eq3A_181, %jit3A_182, %jit3A_179 : i32
      %rem3A_184 = arith.remsi %add3A_154, %select_n3A_183 : i32
      %ne3A_185 = arith.constant 0 : i32
      %ne3A_186 = arith.cmpi ne, %rem3A_184, %ne3A_185 : i32
      %lt3A_187 = arith.constant 0 : i32
      %lt3A_188 = arith.cmpi slt, %rem3A_184, %lt3A_187 : i32
      %lt3A_189 = arith.constant 0 : i32
      %lt3A_190 = arith.cmpi slt, %select_n3A_183, %lt3A_189 : i32
      %ne3A_191 = arith.xori %lt3A_188, %lt3A_190 : i1
      %and3A_192 = arith.andi %ne3A_191, %ne3A_186 : i1
      %add3A_193 = arith.addi %rem3A_184, %select_n3A_183 : i32
      %select_n3A_194 = arith.select %and3A_192, %add3A_193, %rem3A_184 : i32
      %mul3A_195 = arith.constant 128 : i32
      %mul3A_196 = arith.muli %select_n3A_194, %mul3A_195 : i32
      %dma_start3A_197 = arith.constant 0 : i32
      %dma_start3A_198 = tpu.memref_slice %arg4[%select_n3A_178, %dma_start3A_197, %mul3A_196] : memref<50x64x16384xf32, #tpu.memory_space<hbm>> -> memref<1x64x128xf32, #tpu.memory_space<hbm>>
      %dma_start3A_199 = tpu.memref_squeeze %dma_start3A_198 : memref<1x64x128xf32, #tpu.memory_space<hbm>> -> memref<64x128xf32, #tpu.memory_space<hbm>>
      %dma_start3A_200 = arith.constant 0 : i32
      %dma_start3A_201 = tpu.memref_slice %arg4[%select_n3A_178, %dma_start3A_200, %mul3A_196] : memref<50x64x16384xf32, #tpu.memory_space<hbm>> -> memref<1x64x128xf32, #tpu.memory_space<hbm>>
      %dma_start3A_202 = tpu.memref_squeeze %dma_start3A_201 : memref<1x64x128xf32, #tpu.memory_space<hbm>> -> memref<64x128xf32, #tpu.memory_space<hbm>>
      tpu.enqueue_dma source(%arg8 : memref<64x128xf32, #tpu.memory_space<vmem>>) target(%dma_start3A_202 : memref<64x128xf32, #tpu.memory_space<hbm>>) target_semaphore(%arg12 : memref<!tpu.dma_semaphore, #tpu.memory_space<semaphore_mem>>)
      %add3A_203 = arith.constant 2 : i32
      %add3A_204 = arith.addi %add3A_143, %add3A_203 : i32
      %lt3A_205 = arith.constant 200 : i32
      %lt3A_206 = arith.cmpi slt, %add3A_204, %lt3A_205 : i32
      %convert_element_type3A_207 = arith.extui %lt3A_206 : i1 to i32
      %cond3A_208 = arith.constant 0 : i32
      %cond3A_209 = arith.cmpi ne, %convert_element_type3A_207, %cond3A_208 : i32
      scf.if %cond3A_209 {
        %add3A_283 = arith.constant 2 : i32
        %add3A_284 = arith.addi %add3A_143, %add3A_283 : i32
        %dma_start3A_285 = arith.constant 0 : i32
        %dma_start3A_286 = tpu.memref_slice %arg5[%add3A_284, %dma_start3A_285] : memref<200x128xi32, #tpu.memory_space<vmem>> -> memref<1x128xi32, #tpu.memory_space<vmem>>
        %dma_start3A_287 = tpu.memref_squeeze %dma_start3A_286 : memref<1x128xi32, #tpu.memory_space<vmem>> -> memref<128xi32, #tpu.memory_space<vmem>>
        %dma_start3A_288 = arith.constant 0 : i32
        %dma_start3A_289 = arith.constant 0 : i32
        %dma_start3A_290 = tpu.memref_slice %arg3[%dma_start3A_288, %dma_start3A_289] : memref<1000000x128xf32, #tpu.memory_space<hbm>> -> memref<1000000x128xf32, #tpu.memory_space<hbm>>
        tpu.enqueue_indirect_dma source(%dma_start3A_290 : memref<1000000x128xf32, #tpu.memory_space<hbm>>) target(%arg6 : memref<128x128xf32, #tpu.memory_space<vmem>>) offsets(%dma_start3A_287 : memref<128xi32, #tpu.memory_space<vmem>>) semaphore(%arg10 : memref<!tpu.dma_semaphore, #tpu.memory_space<semaphore_mem>>)
      } else {
      }
      %mul3A_210 = arith.constant 2 : i32
      %mul3A_211 = arith.muli %add3A_139, %mul3A_210 : i32
      %add3A_212 = arith.constant 1 : i32
      %add3A_213 = arith.addi %mul3A_211, %add3A_212 : i32
      %dma_wait3A_214 = arith.constant 0 : i32
      %dma_wait3A_215 = tpu.memref_slice %arg5[%add3A_213, %dma_wait3A_214] : memref<200x128xi32, #tpu.memory_space<vmem>> -> memref<1x128xi32, #tpu.memory_space<vmem>>
      %dma_wait3A_216 = tpu.memref_squeeze %dma_wait3A_215 : memref<1x128xi32, #tpu.memory_space<vmem>> -> memref<128xi32, #tpu.memory_space<vmem>>
      %dma_wait3A_217 = arith.constant 0 : i32
      %dma_wait3A_218 = arith.constant 0 : i32
      %dma_wait3A_219 = tpu.memref_slice %arg3[%dma_wait3A_217, %dma_wait3A_218] : memref<1000000x128xf32, #tpu.memory_space<hbm>> -> memref<1000000x128xf32, #tpu.memory_space<hbm>>
      tpu.wait_indirect_dma semaphore(%arg11 : memref<!tpu.dma_semaphore, #tpu.memory_space<semaphore_mem>>) src(%dma_wait3A_219 : memref<1000000x128xf32, #tpu.memory_space<hbm>>) dst(%arg7 : memref<128x128xf32, #tpu.memory_space<vmem>>)
      %ge3A_220 = arith.constant 2 : i32
      %ge3A_221 = arith.cmpi sge, %add3A_213, %ge3A_220 : i32
      %convert_element_type3A_222 = arith.extui %ge3A_221 : i1 to i32
      %cond3A_223 = arith.constant 0 : i32
      %cond3A_224 = arith.cmpi ne, %convert_element_type3A_222, %cond3A_223 : i32
      scf.if %cond3A_224 {
        %sub3A_283 = arith.constant 2 : i32
        %sub3A_284 = arith.subi %add3A_213, %sub3A_283 : i32
        %mul3A_285 = arith.constant 200 : i32
        %mul3A_286 = arith.muli %add3A, %mul3A_285 : i32
        %add3A_287 = arith.addi %mul3A_286, %sub3A_284 : i32
        %jit3A_288 = arith.constant 128 : i32
        %div3A_289 = arith.divsi %add3A_287, %jit3A_288 : i32
        %sign3A_290 = arith.constant 0 : i32
        %sign3A_291 = arith.cmpi sgt, %add3A_287, %sign3A_290 : i32
        %sign3A_292 = arith.extui %sign3A_291 : i1 to i32
        %sign3A_293 = arith.constant 0 : i32
        %sign3A_294 = arith.cmpi slt, %add3A_287, %sign3A_293 : i32
        %sign3A_295 = arith.extui %sign3A_294 : i1 to i32
        %sign3A_296 = arith.subi %sign3A_292, %sign3A_295 : i32
        %sign3A_297 = arith.constant 0 : i32
        %sign3A_298 = arith.cmpi sgt, %jit3A_288, %sign3A_297 : i32
        %sign3A_299 = arith.extui %sign3A_298 : i1 to i32
        %sign3A_300 = arith.constant 0 : i32
        %sign3A_301 = arith.cmpi slt, %jit3A_288, %sign3A_300 : i32
        %sign3A_302 = arith.extui %sign3A_301 : i1 to i32
        %sign3A_303 = arith.subi %sign3A_299, %sign3A_302 : i32
        %ne3A_304 = arith.cmpi ne, %sign3A_296, %sign3A_303 : i32
        %rem3A_305 = arith.remsi %add3A_287, %jit3A_288 : i32
        %ne3A_306 = arith.constant 0 : i32
        %ne3A_307 = arith.cmpi ne, %rem3A_305, %ne3A_306 : i32
        %and3A_308 = arith.andi %ne3A_304, %ne3A_307 : i1
        %sub3A_309 = arith.constant 1 : i32
        %sub3A_310 = arith.subi %div3A_289, %sub3A_309 : i32
        %select_n3A_311 = arith.select %and3A_308, %sub3A_310, %div3A_289 : i32
        %jit3A_312 = arith.constant 128 : i32
        %eq3A_313 = arith.constant 0 : i32
        %eq3A_314 = arith.cmpi eq, %jit3A_312, %eq3A_313 : i32
        %jit3A_315 = arith.constant 1 : i32
        %select_n3A_316 = arith.select %eq3A_314, %jit3A_315, %jit3A_312 : i32
        %rem3A_317 = arith.remsi %add3A_287, %select_n3A_316 : i32
        %ne3A_318 = arith.constant 0 : i32
        %ne3A_319 = arith.cmpi ne, %rem3A_317, %ne3A_318 : i32
        %lt3A_320 = arith.constant 0 : i32
        %lt3A_321 = arith.cmpi slt, %rem3A_317, %lt3A_320 : i32
        %lt3A_322 = arith.constant 0 : i32
        %lt3A_323 = arith.cmpi slt, %select_n3A_316, %lt3A_322 : i32
        %ne3A_324 = arith.xori %lt3A_321, %lt3A_323 : i1
        %and3A_325 = arith.andi %ne3A_324, %ne3A_319 : i1
        %add3A_326 = arith.addi %rem3A_317, %select_n3A_316 : i32
        %select_n3A_327 = arith.select %and3A_325, %add3A_326, %rem3A_317 : i32
        %mul3A_328 = arith.constant 128 : i32
        %mul3A_329 = arith.muli %select_n3A_327, %mul3A_328 : i32
        %dma_wait3A_330 = arith.constant 0 : i32
        %dma_wait3A_331 = tpu.memref_slice %arg4[%select_n3A_311, %dma_wait3A_330, %mul3A_329] : memref<50x64x16384xf32, #tpu.memory_space<hbm>> -> memref<1x64x128xf32, #tpu.memory_space<hbm>>
        %dma_wait3A_332 = tpu.memref_squeeze %dma_wait3A_331 : memref<1x64x128xf32, #tpu.memory_space<hbm>> -> memref<64x128xf32, #tpu.memory_space<hbm>>
        %dma_wait3A_333 = arith.constant 0 : i32
        %dma_wait3A_334 = tpu.memref_slice %arg4[%select_n3A_311, %dma_wait3A_333, %mul3A_329] : memref<50x64x16384xf32, #tpu.memory_space<hbm>> -> memref<1x64x128xf32, #tpu.memory_space<hbm>>
        %dma_wait3A_335 = tpu.memref_squeeze %dma_wait3A_334 : memref<1x64x128xf32, #tpu.memory_space<hbm>> -> memref<64x128xf32, #tpu.memory_space<hbm>>
        tpu.wait_dma2 semaphore(%arg13 : memref<!tpu.dma_semaphore, #tpu.memory_space<semaphore_mem>>) src(%arg9 : memref<64x128xf32, #tpu.memory_space<vmem>>) dst(%dma_wait3A_335 : memref<64x128xf32, #tpu.memory_space<hbm>>)
      } else {
      }
      %mul3A_225 = arith.constant 200 : i32
      %mul3A_226 = arith.muli %add3A, %mul3A_225 : i32
      %add3A_227 = arith.addi %mul3A_226, %add3A_213 : i32
      %jit3A_228 = arith.constant 128 : i32
      %div3A_229 = arith.divsi %add3A_227, %jit3A_228 : i32
      %sign3A_230 = arith.constant 0 : i32
      %sign3A_231 = arith.cmpi sgt, %add3A_227, %sign3A_230 : i32
      %sign3A_232 = arith.extui %sign3A_231 : i1 to i32
      %sign3A_233 = arith.constant 0 : i32
      %sign3A_234 = arith.cmpi slt, %add3A_227, %sign3A_233 : i32
      %sign3A_235 = arith.extui %sign3A_234 : i1 to i32
      %sign3A_236 = arith.subi %sign3A_232, %sign3A_235 : i32
      %sign3A_237 = arith.constant 0 : i32
      %sign3A_238 = arith.cmpi sgt, %jit3A_228, %sign3A_237 : i32
      %sign3A_239 = arith.extui %sign3A_238 : i1 to i32
      %sign3A_240 = arith.constant 0 : i32
      %sign3A_241 = arith.cmpi slt, %jit3A_228, %sign3A_240 : i32
      %sign3A_242 = arith.extui %sign3A_241 : i1 to i32
      %sign3A_243 = arith.subi %sign3A_239, %sign3A_242 : i32
      %ne3A_244 = arith.cmpi ne, %sign3A_236, %sign3A_243 : i32
      %rem3A_245 = arith.remsi %add3A_227, %jit3A_228 : i32
      %ne3A_246 = arith.constant 0 : i32
      %ne3A_247 = arith.cmpi ne, %rem3A_245, %ne3A_246 : i32
      %and3A_248 = arith.andi %ne3A_244, %ne3A_247 : i1
      %sub3A_249 = arith.constant 1 : i32
      %sub3A_250 = arith.subi %div3A_229, %sub3A_249 : i32
      %select_n3A_251 = arith.select %and3A_248, %sub3A_250, %div3A_229 : i32
      %jit3A_252 = arith.constant 128 : i32
      %eq3A_253 = arith.constant 0 : i32
      %eq3A_254 = arith.cmpi eq, %jit3A_252, %eq3A_253 : i32
      %jit3A_255 = arith.constant 1 : i32
      %select_n3A_256 = arith.select %eq3A_254, %jit3A_255, %jit3A_252 : i32
      %rem3A_257 = arith.remsi %add3A_227, %select_n3A_256 : i32
      %ne3A_258 = arith.constant 0 : i32
      %ne3A_259 = arith.cmpi ne, %rem3A_257, %ne3A_258 : i32
      %lt3A_260 = arith.constant 0 : i32
      %lt3A_261 = arith.cmpi slt, %rem3A_257, %lt3A_260 : i32
      %lt3A_262 = arith.constant 0 : i32
      %lt3A_263 = arith.cmpi slt, %select_n3A_256, %lt3A_262 : i32
      %ne3A_264 = arith.xori %lt3A_261, %lt3A_263 : i1
      %and3A_265 = arith.andi %ne3A_264, %ne3A_259 : i1
      %add3A_266 = arith.addi %rem3A_257, %select_n3A_256 : i32
      %select_n3A_267 = arith.select %and3A_265, %add3A_266, %rem3A_257 : i32
      %mul3A_268 = arith.constant 128 : i32
      %mul3A_269 = arith.muli %select_n3A_267, %mul3A_268 : i32
      %dma_start3A_270 = arith.constant 0 : i32
      %dma_start3A_271 = tpu.memref_slice %arg4[%select_n3A_251, %dma_start3A_270, %mul3A_269] : memref<50x64x16384xf32, #tpu.memory_space<hbm>> -> memref<1x64x128xf32, #tpu.memory_space<hbm>>
      %dma_start3A_272 = tpu.memref_squeeze %dma_start3A_271 : memref<1x64x128xf32, #tpu.memory_space<hbm>> -> memref<64x128xf32, #tpu.memory_space<hbm>>
      %dma_start3A_273 = arith.constant 0 : i32
      %dma_start3A_274 = tpu.memref_slice %arg4[%select_n3A_251, %dma_start3A_273, %mul3A_269] : memref<50x64x16384xf32, #tpu.memory_space<hbm>> -> memref<1x64x128xf32, #tpu.memory_space<hbm>>
      %dma_start3A_275 = tpu.memref_squeeze %dma_start3A_274 : memref<1x64x128xf32, #tpu.memory_space<hbm>> -> memref<64x128xf32, #tpu.memory_space<hbm>>
      tpu.enqueue_dma source(%arg9 : memref<64x128xf32, #tpu.memory_space<vmem>>) target(%dma_start3A_275 : memref<64x128xf32, #tpu.memory_space<hbm>>) target_semaphore(%arg13 : memref<!tpu.dma_semaphore, #tpu.memory_space<semaphore_mem>>)
      %add3A_276 = arith.constant 2 : i32
      %add3A_277 = arith.addi %add3A_213, %add3A_276 : i32
      %lt3A_278 = arith.constant 200 : i32
      %lt3A_279 = arith.cmpi slt, %add3A_277, %lt3A_278 : i32
      %convert_element_type3A_280 = arith.extui %lt3A_279 : i1 to i32
      %cond3A_281 = arith.constant 0 : i32
      %cond3A_282 = arith.cmpi ne, %convert_element_type3A_280, %cond3A_281 : i32
      scf.if %cond3A_282 {
        %add3A_283 = arith.constant 2 : i32
        %add3A_284 = arith.addi %add3A_213, %add3A_283 : i32
        %dma_start3A_285 = arith.constant 0 : i32
        %dma_start3A_286 = tpu.memref_slice %arg5[%add3A_284, %dma_start3A_285] : memref<200x128xi32, #tpu.memory_space<vmem>> -> memref<1x128xi32, #tpu.memory_space<vmem>>
        %dma_start3A_287 = tpu.memref_squeeze %dma_start3A_286 : memref<1x128xi32, #tpu.memory_space<vmem>> -> memref<128xi32, #tpu.memory_space<vmem>>
        %dma_start3A_288 = arith.constant 0 : i32
        %dma_start3A_289 = arith.constant 0 : i32
        %dma_start3A_290 = tpu.memref_slice %arg3[%dma_start3A_288, %dma_start3A_289] : memref<1000000x128xf32, #tpu.memory_space<hbm>> -> memref<1000000x128xf32, #tpu.memory_space<hbm>>
        tpu.enqueue_indirect_dma source(%dma_start3A_290 : memref<1000000x128xf32, #tpu.memory_space<hbm>>) target(%arg7 : memref<128x128xf32, #tpu.memory_space<vmem>>) offsets(%dma_start3A_287 : memref<128xi32, #tpu.memory_space<vmem>>) semaphore(%arg11 : memref<!tpu.dma_semaphore, #tpu.memory_space<semaphore_mem>>)
      } else {
      }
    }
    %scan3A_41 = arith.constant 100 : i32
    %mul3A_42 = arith.constant 200 : i32
    %mul3A_43 = arith.muli %add3A, %mul3A_42 : i32
    %add3A_44 = arith.constant 198 : i32
    %add3A_45 = arith.addi %mul3A_43, %add3A_44 : i32
    %jit3A = arith.constant 128 : i32
    %div3A = arith.divsi %add3A_45, %jit3A : i32
    %sign3A = arith.constant 0 : i32
    %sign3A_46 = arith.cmpi sgt, %add3A_45, %sign3A : i32
    %sign3A_47 = arith.extui %sign3A_46 : i1 to i32
    %sign3A_48 = arith.constant 0 : i32
    %sign3A_49 = arith.cmpi slt, %add3A_45, %sign3A_48 : i32
    %sign3A_50 = arith.extui %sign3A_49 : i1 to i32
    %sign3A_51 = arith.subi %sign3A_47, %sign3A_50 : i32
    %sign3A_52 = arith.constant 0 : i32
    %sign3A_53 = arith.cmpi sgt, %jit3A, %sign3A_52 : i32
    %sign3A_54 = arith.extui %sign3A_53 : i1 to i32
    %sign3A_55 = arith.constant 0 : i32
    %sign3A_56 = arith.cmpi slt, %jit3A, %sign3A_55 : i32
    %sign3A_57 = arith.extui %sign3A_56 : i1 to i32
    %sign3A_58 = arith.subi %sign3A_54, %sign3A_57 : i32
    %ne3A = arith.cmpi ne, %sign3A_51, %sign3A_58 : i32
    %rem3A = arith.remsi %add3A_45, %jit3A : i32
    %ne3A_59 = arith.constant 0 : i32
    %ne3A_60 = arith.cmpi ne, %rem3A, %ne3A_59 : i32
    %and3A = arith.andi %ne3A, %ne3A_60 : i1
    %sub3A = arith.constant 1 : i32
    %sub3A_61 = arith.subi %div3A, %sub3A : i32
    %select_n3A = arith.select %and3A, %sub3A_61, %div3A : i32
    %jit3A_62 = arith.constant 128 : i32
    %eq3A = arith.constant 0 : i32
    %eq3A_63 = arith.cmpi eq, %jit3A_62, %eq3A : i32
    %jit3A_64 = arith.constant 1 : i32
    %select_n3A_65 = arith.select %eq3A_63, %jit3A_64, %jit3A_62 : i32
    %rem3A_66 = arith.remsi %add3A_45, %select_n3A_65 : i32
    %ne3A_67 = arith.constant 0 : i32
    %ne3A_68 = arith.cmpi ne, %rem3A_66, %ne3A_67 : i32
    %lt3A = arith.constant 0 : i32
    %lt3A_69 = arith.cmpi slt, %rem3A_66, %lt3A : i32
    %lt3A_70 = arith.constant 0 : i32
    %lt3A_71 = arith.cmpi slt, %select_n3A_65, %lt3A_70 : i32
    %ne3A_72 = arith.xori %lt3A_69, %lt3A_71 : i1
    %and3A_73 = arith.andi %ne3A_72, %ne3A_68 : i1
    %add3A_74 = arith.addi %rem3A_66, %select_n3A_65 : i32
    %select_n3A_75 = arith.select %and3A_73, %add3A_74, %rem3A_66 : i32
    %mul3A_76 = arith.constant 128 : i32
    %mul3A_77 = arith.muli %select_n3A_75, %mul3A_76 : i32
    %dma_wait3A = arith.constant 0 : i32
    %dma_wait3A_78 = tpu.memref_slice %arg4[%select_n3A, %dma_wait3A, %mul3A_77] : memref<50x64x16384xf32, #tpu.memory_space<hbm>> -> memref<1x64x128xf32, #tpu.memory_space<hbm>>
    %dma_wait3A_79 = tpu.memref_squeeze %dma_wait3A_78 : memref<1x64x128xf32, #tpu.memory_space<hbm>> -> memref<64x128xf32, #tpu.memory_space<hbm>>
    %dma_wait3A_80 = arith.constant 0 : i32
    %dma_wait3A_81 = tpu.memref_slice %arg4[%select_n3A, %dma_wait3A_80, %mul3A_77] : memref<50x64x16384xf32, #tpu.memory_space<hbm>> -> memref<1x64x128xf32, #tpu.memory_space<hbm>>
    %dma_wait3A_82 = tpu.memref_squeeze %dma_wait3A_81 : memref<1x64x128xf32, #tpu.memory_space<hbm>> -> memref<64x128xf32, #tpu.memory_space<hbm>>
    tpu.wait_dma2 semaphore(%arg12 : memref<!tpu.dma_semaphore, #tpu.memory_space<semaphore_mem>>) src(%arg8 : memref<64x128xf32, #tpu.memory_space<vmem>>) dst(%dma_wait3A_82 : memref<64x128xf32, #tpu.memory_space<hbm>>)
    %mul3A_83 = arith.constant 200 : i32
    %mul3A_84 = arith.muli %add3A, %mul3A_83 : i32
    %add3A_85 = arith.constant 199 : i32
    %add3A_86 = arith.addi %mul3A_84, %add3A_85 : i32
    %jit3A_87 = arith.constant 128 : i32
    %div3A_88 = arith.divsi %add3A_86, %jit3A_87 : i32
    %sign3A_89 = arith.constant 0 : i32
    %sign3A_90 = arith.cmpi sgt, %add3A_86, %sign3A_89 : i32
    %sign3A_91 = arith.extui %sign3A_90 : i1 to i32
    %sign3A_92 = arith.constant 0 : i32
    %sign3A_93 = arith.cmpi slt, %add3A_86, %sign3A_92 : i32
    %sign3A_94 = arith.extui %sign3A_93 : i1 to i32
    %sign3A_95 = arith.subi %sign3A_91, %sign3A_94 : i32
    %sign3A_96 = arith.constant 0 : i32
    %sign3A_97 = arith.cmpi sgt, %jit3A_87, %sign3A_96 : i32
    %sign3A_98 = arith.extui %sign3A_97 : i1 to i32
    %sign3A_99 = arith.constant 0 : i32
    %sign3A_100 = arith.cmpi slt, %jit3A_87, %sign3A_99 : i32
    %sign3A_101 = arith.extui %sign3A_100 : i1 to i32
    %sign3A_102 = arith.subi %sign3A_98, %sign3A_101 : i32
    %ne3A_103 = arith.cmpi ne, %sign3A_95, %sign3A_102 : i32
    %rem3A_104 = arith.remsi %add3A_86, %jit3A_87 : i32
    %ne3A_105 = arith.constant 0 : i32
    %ne3A_106 = arith.cmpi ne, %rem3A_104, %ne3A_105 : i32
    %and3A_107 = arith.andi %ne3A_103, %ne3A_106 : i1
    %sub3A_108 = arith.constant 1 : i32
    %sub3A_109 = arith.subi %div3A_88, %sub3A_108 : i32
    %select_n3A_110 = arith.select %and3A_107, %sub3A_109, %div3A_88 : i32
    %jit3A_111 = arith.constant 128 : i32
    %eq3A_112 = arith.constant 0 : i32
    %eq3A_113 = arith.cmpi eq, %jit3A_111, %eq3A_112 : i32
    %jit3A_114 = arith.constant 1 : i32
    %select_n3A_115 = arith.select %eq3A_113, %jit3A_114, %jit3A_111 : i32
    %rem3A_116 = arith.remsi %add3A_86, %select_n3A_115 : i32
    %ne3A_117 = arith.constant 0 : i32
    %ne3A_118 = arith.cmpi ne, %rem3A_116, %ne3A_117 : i32
    %lt3A_119 = arith.constant 0 : i32
    %lt3A_120 = arith.cmpi slt, %rem3A_116, %lt3A_119 : i32
    %lt3A_121 = arith.constant 0 : i32
    %lt3A_122 = arith.cmpi slt, %select_n3A_115, %lt3A_121 : i32
    %ne3A_123 = arith.xori %lt3A_120, %lt3A_122 : i1
    %and3A_124 = arith.andi %ne3A_123, %ne3A_118 : i1
    %add3A_125 = arith.addi %rem3A_116, %select_n3A_115 : i32
    %select_n3A_126 = arith.select %and3A_124, %add3A_125, %rem3A_116 : i32
    %mul3A_127 = arith.constant 128 : i32
    %mul3A_128 = arith.muli %select_n3A_126, %mul3A_127 : i32
    %dma_wait3A_129 = arith.constant 0 : i32
    %dma_wait3A_130 = tpu.memref_slice %arg4[%select_n3A_110, %dma_wait3A_129, %mul3A_128] : memref<50x64x16384xf32, #tpu.memory_space<hbm>> -> memref<1x64x128xf32, #tpu.memory_space<hbm>>
    %dma_wait3A_131 = tpu.memref_squeeze %dma_wait3A_130 : memref<1x64x128xf32, #tpu.memory_space<hbm>> -> memref<64x128xf32, #tpu.memory_space<hbm>>
    %dma_wait3A_132 = arith.constant 0 : i32
    %dma_wait3A_133 = tpu.memref_slice %arg4[%select_n3A_110, %dma_wait3A_132, %mul3A_128] : memref<50x64x16384xf32, #tpu.memory_space<hbm>> -> memref<1x64x128xf32, #tpu.memory_space<hbm>>
    %dma_wait3A_134 = tpu.memref_squeeze %dma_wait3A_133 : memref<1x64x128xf32, #tpu.memory_space<hbm>> -> memref<64x128xf32, #tpu.memory_space<hbm>>
    tpu.wait_dma2 semaphore(%arg13 : memref<!tpu.dma_semaphore, #tpu.memory_space<semaphore_mem>>) src(%arg9 : memref<64x128xf32, #tpu.memory_space<vmem>>) dst(%dma_wait3A_134 : memref<64x128xf32, #tpu.memory_space<hbm>>)
    return
  }
}

</mosaic_0001>

<sc_bundles>
// kernel: _sc_gather_t.3.cloned.1.call-start
scs
__scs_entry_jumppad:
0x0: {  	(pc) =	sbr.rel $0x88, $3  }
0x1: {  	(tag) =	ssettag $0x0;
	lr =	simm.s32 $0x1  }
0x2: {  	[smem:$0x3F9F] =	sst lr;
	_ =	strace $0xD0000000  }
0x3: {  	_ = 	snop  }
0x4: {  	_ = 	snop  }
0x5: {  	_ = 	snop  }
0x6: {  	_ = 	snop  }
0x7: {  	_ = 	snop  }
__scs_overlays_trampoline_lowered:
0x8: {  	[smem:$0x3FAE] =	sst s0  }
0x9: {  	[smem:$0x3FAF] =	sst s1  }
0xa: {  	[smem:$0x3FB0] =	sst s2  }
0xb: {  	[smem:$0x3FB1] =	sst s3  }
0xc: {  	[smem:$0x3FB2] =	sst s4  }
0xd: {  	[smem:$0x3FB3] =	sst s5  }
0xe: {  	[smem:$0x3FB4] =	sst s6  }
0xf: {  	[smem:$0x3FB5] =	sst s7  }
0x10: {  	[smem:$0x3FB6] =	sst s8  }
0x11: {  	[smem:$0x3FB7] =	sst s9;
	s0 =	simm.s32 @!p0 $0x0  }
0x12: {  	s1 =	sld [smem:$0x3F9D];
	s0 =	simm.s32 @p0 $0x1  }
0x13: {  	[smem:$0x3FB8] =	sst s0;
	s0 =	simm.s32 @!p1 $0x0  }
0x14: {  	s2 =	sld [smem:$0x3F9C];
	s0 =	simm.s32 @p1 $0x1  }
0x15: {  	[smem:$0x3FB9] =	sst s0;
	s0 =	simm.s32 @!p2 $0x0  }
0x16: {  	s3 =	sld [smem:$0x3FDB];
	s0 =	simm.s32 @p2 $0x1  }
0x17: {  	s4 =	simm.s32 $0x1BF5;
	[smem:$0x3FBB] =	sst s0  }
0x18: {  	s0 =	sld [smem:$0x3F9E];
	_ =	swait.ge [sflag:s4], $0x0  }
0x19: {  	s7 =	sld [smem:$0x3F9F]  }
0x1a: {  	s8 =	sadd.s32 $0xFFFFE003, lr  }
0x1b: {  	s9 =	sadd.s32 $0xFFFFFEF7, lr;
	s5 =	simm.s32 $0xFFFFFFFF;
	p2 =	slt.u32 s8, $0xFFFFF086  }
0x1c: {  	p1 =	slt.u32 s9, $0xF7A;
	s5 =	simm.s32 @!p2 $0x0  }
0x1d: {  	s5 =	simm.s32 @p1 $0x1;
	p0 =	seq.s32 s7, s2  }
0x1e: {  	s7 =	smul.u32 @!p0 $0xF7A, s2;
	p2 =	seq.s32 @!p0 s5, $0x0  }
0x1f: {  	s9 =	smul.u32 $0xF7A, s1;
	s8 =	simm.s32 @!p0 $0x1BF5;
	p2 =	por !p2, p0  }
0x20: {  	[sflag:s8] =	ssyncset.s32 @!p0 $0xFFFFF086;
	s6 =	sadd.s32 @!p0 s3, s7;
	s7 =	simm.s32 @!p0 $0x108  }
0x21: {  	s3 =	sadd.s32 s3, s9;
	s6 =	sadd.s32 @!p0 $0x88, s6;
	s7 =	simm.s32 @p2 $0x1082  }
0x22: {  	[simem:s7], [sflag:s8] =	dma.local @!p0 [hbm:s6], $0xF7A  }
0x23: {  	s9 =	sor.u32 $0xD0000000, s2;
	s6 =	simm.s32 $0x108;
	_ =	swait.ge @!p0 [sflag:s8], $0x0  }
0x24: {  	s3 =	sadd.s32 $0x88, s3;
	s6 =	simm.s32 @!p1 $0x1082;
	[sflag:s4] =	ssyncset.s32 $0xFFFFF086  }
0x25: {  	[simem:s6], [sflag:s4] =	dma.local [hbm:s3], $0xF7A  }
0x26: {  	[smem:$0x3F9F] =	sst s1;
	(tag) =	ssettag s2;
	_ =	strace s9  }
0x27: {  	s1 =	sld [smem:$0x3FAF]  }
0x28: {  	s2 =	sld [smem:$0x3FB0]  }
0x29: {  	s4 =	sld [smem:$0x3FB2]  }
0x2a: {  	p0 =	seq.s32 s5, $0x0;
	s5 =	sld [smem:$0x3FB3]  }
0x2b: {  	s6 =	sld [smem:$0x3FB4]  }
0x2c: {  	s7 =	sld [smem:$0x3FB5]  }
0x2d: {  	s3 =	simm.s32 $0x108;
	s8 =	sld [smem:$0x3FB6]  }
0x2e: {  	s3 =	simm.s32 @!p0 $0x1082;
	s9 =	sld [smem:$0x3FB7]  }
0x2f: {  	lr =	sadd.s32 s0, s3;
	s0 =	sld [smem:$0x3FAE]  }
0x30: {  	s3 =	sld [smem:$0x3FB1]  }
0x31: {  	[smem:$0x3FBA] =	sst s10  }
0x32: {  	s10 =	sld [smem:$0x3FB8];
	_ =	sdelay $0x3  }
0x33: {  	p0 =	seq.s32 s10, $0x1;
	s10 =	sld [smem:$0x3FBA];
	_ =	sdelay $0x3  }
0x34: {  	[smem:$0x3FBA] =	sst s10  }
0x35: {  	s10 =	sld [smem:$0x3FB9];
	_ =	sdelay $0x3  }
0x36: {  	p1 =	seq.s32 s10, $0x1;
	s10 =	sld [smem:$0x3FBA];
	_ =	sdelay $0x3  }
0x37: {  	[smem:$0x3FBA] =	sst s10  }
0x38: {  	s10 =	sld [smem:$0x3FBB]  }
0x39: {  	_ = 	snop;
	(pc) =	sbr.ind lr, $3  }
0x3a: {  	_ = 	snop  }
0x3b: {  	_ = 	snop  }
0x3c: {  	p2 =	seq.s32 s10, $0x1;
	s10 =	sld [smem:$0x3FBA]  }
0x3d: {  	_ =	shalt  }
0x3e: {  	_ =	shalt  }
0x3f: {  	_ =	shalt  }
0x40: {  	_ =	shalt  }
0x41: {  	_ =	shalt  }
0x42: {  	_ =	shalt  }
0x43: {  	_ =	shalt  }
0x44: {  	_ =	shalt  }
0x45: {  	_ =	shalt  }
0x46: {  	_ =	shalt  }
0x47: {  	_ =	shalt  }
0x48: {  	_ =	shalt  }
0x49: {  	_ =	shalt  }
0x4a: {  	_ =	shalt  }
0x4b: {  	_ =	shalt  }
0x4c: {  	_ =	shalt  }
0x4d: {  	_ =	shalt  }
0x4e: {  	_ =	shalt  }
0x4f: {  	_ =	shalt  }
0x50: {  	_ =	shalt  }
0x51: {  	_ =	shalt  }
0x52: {  	_ =	shalt  }
0x53: {  	_ =	shalt  }
0x54: {  	_ =	shalt  }
0x55: {  	_ =	shalt  }
0x56: {  	_ =	shalt  }
0x57: {  	_ =	shalt  }
0x58: {  	_ =	shalt  }
0x59: {  	_ =	shalt  }
0x5a: {  	_ =	shalt  }
0x5b: {  	_ =	shalt  }
0x5c: {  	_ =	shalt  }
0x5d: {  	_ =	shalt  }
0x5e: {  	_ =	shalt  }
0x5f: {  	_ =	shalt  }
0x60: {  	_ =	shalt  }
0x61: {  	_ =	shalt  }
0x62: {  	_ =	shalt  }
0x63: {  	_ =	shalt  }
0x64: {  	_ =	shalt  }
0x65: {  	_ =	shalt  }
0x66: {  	_ =	shalt  }
0x67: {  	_ =	shalt  }
0x68: {  	_ =	shalt  }
0x69: {  	_ =	shalt  }
0x6a: {  	_ =	shalt  }
0x6b: {  	_ =	shalt  }
0x6c: {  	_ =	shalt  }
0x6d: {  	_ =	shalt  }
0x6e: {  	_ =	shalt  }
0x6f: {  	_ =	shalt  }
0x70: {  	_ =	shalt  }
0x71: {  	_ =	shalt  }
0x72: {  	_ =	shalt  }
0x73: {  	_ =	shalt  }
0x74: {  	_ =	shalt  }
0x75: {  	_ =	shalt  }
0x76: {  	_ =	shalt  }
0x77: {  	_ =	shalt  }
0x78: {  	_ =	shalt  }
0x79: {  	_ =	shalt  }
0x7a: {  	_ =	shalt  }
0x7b: {  	_ =	shalt  }
0x7c: {  	_ =	shalt  }
0x7d: {  	_ =	shalt  }
0x7e: {  	_ =	shalt  }
0x7f: {  	_ =	shalt  }
0x80: {  	_ =	shalt  }
0x81: {  	_ =	shalt  }
0x82: {  	_ =	shalt  }
0x83: {  	_ =	shalt  }
0x84: {  	_ =	shalt  }
0x85: {  	_ =	shalt  }
0x86: {  	_ =	shalt  }
0x87: {  	_ =	shalt  }
.Lfunc_end0:
.L_simem_size_0:
called_computation_lowered:
.L_overlay_start_0:
0x88: {  	s2 =	sld [smem:$0x3FD9]  }
0x89: {  	s3 =	sld [smem:$0x3FFE];
	_ =	sdelay $0x1  }
0x8a: {  	s1 =	srdreg.scid  }
0x8b: {  	s0 =	sand.u32 $0x1, s1  }
0x8c: {  	s18 =	sshll.u32 s0, $0xA;
	s2 =	sadd.s32 s3, s2  }
0x8d: {  	s2 =	sadd.s32 s2, s18  }
0x8e: {  	[smem:$0x3FC6] =	sst s2  }
0x8f: {  	_ = 	snop  }
0x90: {  	s2 =	sld [smem:$0x3FC9]  }
0x91: {  	s19 =	sld [smem:$0x3FC8]  }
0x92: {  	s4 =	sld [smem:$0x3FD0];
	(tm) =	ssettm $0x1  }
0x93: {  	s5 =	sld [smem:$0x3FFB];
	_ =	sdelay $0x3  }
0x94: {  	_ =	strace s5  }
0x95: {  	s5 =	sld [smem:$0x3FFC];
	_ =	sdelay $0x3  }
0x96: {  	_ =	strace s5  }
0x97: {  	s5 =	sld [smem:$0x3FFD];
	_ =	sdelay $0x3  }
0x98: {  	_ =	strace s5  }
0x99: {  	_ =	strace $0x8FFFFFFF  }
0x9a: {  	s20 =	sld [smem:$0x3FDB];
	_ =	sdelay $0x1  }
0x9b: {  	s6 =	simm.s32 $_scs_section_size  }
0x9c: {  	s7 =	simm.s32 $_size__tile_overlayer_lowered;
	s8 =	simm.s32 $_tile_overlayer_lowered  }
0x9d: {  	s23 =	simm.s32 $0x1BFF;
	s22 =	sshll.u32 s8, $0x1;
	s5 =	sadd.s32 s6, s20  }
0x9e: {  	s9 =	simm.s32 $0x0;
	s21 =	sshll.u32 s7, $0x1;
	s7 =	sadd.s32 s22, s5  }
0x9f: {  	[timem:s9], [sflag:s23] =	dma.local [hbm:s7], s21  }
0xa0: {  	_ =	swait.ge [sflag:s23], s21  }
0xa1: {  	s6 =	ssub.s32 $0x0, s21;
	[sflag:s23] =	ssyncset.done $0x0  }
0xa2: {  	[sflag:s23] =	ssyncadd.s32 s6;
	_ =	sdelay $0x1  }
0xa3: {  	s24 =	simm.s32 $0x1B8B  }
0xa4: {  	_ =	swait.ge [sflag:s24], $0x1  }
0xa5: {  	[sflag:s24] =	ssyncset.done $0x0  }
0xa6: {  	s25 =	simm.s32 $0x1B8E;
	[sflag:s24] =	ssyncadd.s32 $0xFFFFFFFF  }
0xa7: {  	s26 =	simm.s32 $execute0_lowered;
	[smem:$0x3FD2] =	sst s25  }
0xa8: {  	s6 =	sshll.u32 s26, $0x1;
	_ =	strace $0x80000046;
	[dreg:$0x1] =	wrdreg $0xFFFFFFFF  }
0xa9: {  	s28 =	simm.s32 $_size_execute0_lowered;
	s5 =	sadd.s32 s5, s6;
	[dreg:$0x0] =	wrdreg $0x0  }
0xaa: {  	s6 =	sshll.u32 s28, $0x1;
	[dreg:$0x2] =	wrdreg s5  }
0xab: {  	[dreg:$0x3] =	wrdreg s6  }
0xac: {  	[dreg:$0x4] =	wrdreg $0xC0  }
0xad: {  	_ =	task [dreg:s9], $0x5FFFF  }
0xae: {  	[dreg:$0x1] =	wrdreg $0xFFFFFFFF  }
0xaf: {  	[dreg:$0x0] =	wrdreg $0x60  }
0xb0: {  	[dreg:$0x2] =	wrdreg s2  }
0xb1: {  	[dreg:$0x3] =	wrdreg s19  }
0xb2: {  	[dreg:$0x4] =	wrdreg s4  }
0xb3: {  	[dreg:$0x5] =	wrdreg $0x9  }
0xb4: {  	_ =	task.clear_ibuf [dreg:s9], $0x6FFFF;
	_ =	strace $0x90000046  }
0xb5: {  	s29 =	simm.s32 $0x9;
	_ =	strace $0x80000048  }
0xb6: {  	_ =	swait.ge [sflag:s29], $0x1  }
0xb7: {  	[sflag:s29] =	ssyncadd.s32 $0xFFFFFFFF  }
0xb8: {  	_ =	strace $0x90000048  }
0xb9: {  	_ =	sfence  }
0xba: {  	s30 =	sld [smem:$0x0];
	_ =	sdelay $0x2  }
0xbb: {  	s31 =	sshll.u32 s1, $0xD;
	s1 =	sshrl.u32 s1, $0x2  }
0xbc: {  	s3 =	sand.u32 $0x4000, s31;
	s1 =	sadd.s32 s1, s30  }
0xbd: {  	s0 =	sor.u32 s3, s0;
	s1 =	sshll.u32 s1, $0x11  }
0xbe: {  	s0 =	sor.u32 s1, s0  }
0xbf: {  	s0 =	sadd.s32 $0x8F2B, s0  }
0xc0: {  	[sflag:s0] =	ssyncadd.remote.s32 $0x1  }
0xc1: {  	_ =	sfence.sel $0xFFFF  }
0xc2: {  	[dreg:$0x0] =	wrdreg $0xFFFFFFFF;
	(pc) =	sbr.abs _section_cstart, $3  }
0xc3: {  	[dreg:$0x1] =	wrdreg $0xFFFFFFFF  }
0xc4: {  	_ =	task.clear_ibuf [dreg:s9], $0x2FFFF;
	_ =	strace $0x9FFFFFFF  }
0xc5: {  	(tm) =	ssettm $0x7FFFFFFF  }
tec
execute0_lowered:
.L_overlay_start_1:
0x0: {  	(tag) =	ssettag $0x1  }
0x1: {  	s6 =	rddreg [dreg:$0x0]  }
0x2: {  	s1 =	srdreg.scid;
	s2 =	rddreg [dreg:$0x1]  }
0x3: {  	s0 =	stileid.u32;
	s3 =	rddreg [dreg:$0x2];
	s4 =	simm.s32 $0x0  }
0x4: {  	s15 =	simm.s32 $0x1;
	s16 =	simm.s32 $0x400;
	s17 =	simm.s32 $0x20000  }
0x5: {  	s18 =	simm.s32 $0xE400;
	s20 =	simm.s32 $0x2;
	s11 =	smul.u32 $0x64000, s0  }
0x6: {  	s21 =	simm.s32 $0x10400;
	s5 =	sand.u32 $0x1, s1;
	s31 =	smul.u32 $0xC800, s0  }
0x7: {  	s22 =	simm.s32 $0x180;
	s30 =	sshll.u32 s0, $0x1;
	s13 =	smul.u32 $0x32000, s5  }
0x8: {  	s23 =	simm.s32 $0x3;
	s7 =	sor.u32 s5, s30;
	s14 =	smul.u32 $0x6400, s5  }
0x9: {  	s24 =	simm.s32 $0x4;
	s25 =	simm.s32 $0x0;
	s8 =	smul.u32 $0xC80, s7  }
0xa: {  	[smem:$0x7FF] =	sst s4;
	s10 =	ssub.s32 $0x2, s5;
	s9 =	smul.u32 $0x32000, s7  }
0xb: {  	_ =	strace $0x80000047;
	s7 =	smul.u32 $0x2400, s7;
	s12 =	sshrl.u32 s10, $0x1  }
.Ltmp0:
0xc: {  	s10 =	ssub.s32 s10, s12;
	s12 =	simm.s32 $0x80;
	(pc) =	sbr.rel .LBB2_1-.Ltmp0, $4  }
0xd: {  	s7 =	sand.u32 $0x3C00, s7;
	s9 =	sand.u32 $0x7E0000, s9;
	s5 =	sadd.s32 s6, s8  }
0xe: {  	s6 =	smax.u32 s10, $0x1;
	s10 =	sadd.s32 s14, s31;
	s7 =	sadd.s32 s3, s7  }
0xf: {  	s14 =	simm.s32 $0xA400;
	s7 =	sadd.s32 s9, s7;
	s9 =	sadd.s32 s13, s11  }
0x10: {  	s11 =	simm.s32 $0x5;
	s13 =	simm.s32 $0x6400;
	s8 =	sadd.s32 $0x80, s7  }
.LBB2_4:
0x11: {  	s25 =	sadd.s32 $0x1, s25  }
0x12: {  	_ =	swait.ge [sflag:s23], $0x2000;
	p0 =	sne.s32 s25, s6  }
.Ltmp1:
0x13: {  	[sflag:s23] =	ssyncset.done $0x0;
	(pc) =	sbr.rel @!p0 .LBB2_5-.Ltmp1, $4  }
0x14: {  	[sflag:s23] =	ssyncadd.s32 $0xFFFFE000  }
0x15: {  	_ =	swait.ge [sflag:s24], $0x2000  }
0x16: {  	[sflag:s24] =	ssyncset.done $0x0  }
0x17: {  	[sflag:s24] =	ssyncadd.s32 $0xFFFFE000  }
.LBB2_1:
0x18: {  	[tilespmem:s4], [sflag:$0x5] =	stream.linear.gather [hbm4b:s5+s4], $0x6400, $0x38;
	[tilespmem:$0x12400] =	vst v63  }
0x19: {  	_ =	swait.ge [sflag:s11], $0x6400  }
0x1a: {  	[sflag:s11] =	ssyncset.done $0x0  }
0x1b: {  	[sflag:s11] =	ssyncadd.s32 $0xFFFF9C00  }
0x1c: {  	[tilespmem:s13], [sflag:$0x1] =	stream.indirect.gather [hbm4b:s2+s12], $0x80, s4, s12, $0xb8;
	[tilespmem:$0x12400] =	vst v63  }
0x1d: {  	_ = 	snop  }
0x1e: {  	[tilespmem:s14], [sflag:$0x2] =	stream.indirect.gather [hbm4b:s2+s12], $0x80, s12, s12, $0xb8;
	[tilespmem:$0x12400] =	vst v63  }
0x1f: {  	_ =	swait.ge [sflag:s15], $0x4000  }
0x20: {  	[sflag:s15] =	ssyncset.done $0x0  }
0x21: {  	[sflag:s15] =	ssyncadd.s32 $0xFFFFC000  }
0x22: {  	[hbm4b:s7+s16] =	stream.strided.scatter [tilespmem:s18], [sflag:$0x3], $0x2000, s17, s16, $0x38;
	[tilespmem:$0x12400] =	vst v63  }
0x23: {  	s0 =	simm.s32 $0x100  }
0x24: {  	[tilespmem:s13], [sflag:$0x1] =	stream.indirect.gather [hbm4b:s2+s12], $0x80, s0, s12, $0xb8;
	[tilespmem:$0x12400] =	vst v63  }
0x25: {  	_ =	swait.ge [sflag:s20], $0x4000  }
0x26: {  	[sflag:s20] =	ssyncset.done $0x0  }
0x27: {  	[sflag:s20] =	ssyncadd.s32 $0xFFFFC000  }
0x28: {  	[hbm4b:s8+s16] =	stream.strided.scatter [tilespmem:s21], [sflag:$0x4], $0x2000, s17, s16, $0x38;
	[tilespmem:$0x12400] =	vst v63  }
0x29: {  	s28 =	smov.u32 s10;
	s29 =	smov.u32 s9;
	s26 =	simm.s32 $0x0  }
0x2a: {  	[tilespmem:s14], [sflag:$0x2] =	stream.indirect.gather [hbm4b:s2+s12], $0x80, s22, s12, $0xb8;
	[tilespmem:$0x12400] =	vst v63  }
.LBB2_2:
0x2b: {  	_ =	swait.ge [sflag:s15], $0x4000  }
0x2c: {  	s30 =	smov.u32 s28;
	[sflag:s15] =	ssyncset.done $0x0  }
0x2d: {  	s31 =	smov.u32 s29;
	s28 =	sadd.s32 $0x100, s28;
	[sflag:s15] =	ssyncadd.s32 $0xFFFFC000  }
0x2e: {  	s29 =	sadd.s32 $0x800, s29;
	s1 =	sand.u32 $0x3F00, s28;
	_ =	swait.ge [sflag:s23], $0x2000  }
0x2f: {  	s0 =	sand.u32 $0xFFE0000, s29;
	s1 =	sadd.s32 s3, s1;
	[sflag:s23] =	ssyncset.done $0x0  }
0x30: {  	p0 =	seq.s32 s26, $0x18800;
	s0 =	sadd.s32 s0, s1;
	[sflag:s23] =	ssyncadd.s32 $0xFFFFE000  }
0x31: {  	[hbm4b:s0+s16] =	stream.strided.scatter [tilespmem:s18], [sflag:$0x3], $0x2000, s17, s16, $0x38;
	[tilespmem:$0x12400] =	vst v63  }
0x32: {  	s0 =	sshra.s32 @!p0 s26, $0x2  }
0x33: {  	s19 =	simm.s32 @!p0 $0x6400;
	s1 =	simm.s32 @!p0 $0x80;
	s0 =	sadd.s32 @!p0 $0x200, s0  }
0x34: {  	[tilespmem:s19], [sflag:$0x1] =	stream.indirect.gather @!p0 [hbm4b:s2+s1], $0x80, s0, s1, $0xb8;
	[tilespmem:$0x12400] =	vst v63  }
0x35: {  	_ =	swait.ge [sflag:s20], $0x4000  }
0x36: {  	[sflag:s20] =	ssyncset.done $0x0  }
.Ltmp2:
0x37: {  	s30 =	sadd.s32 $0x180, s30;
	[sflag:s20] =	ssyncadd.s32 $0xFFFFC000;
	(pc) =	sbr.rel @p0 .LBB2_4-.Ltmp2, $4  }
0x38: {  	s31 =	sadd.s32 $0xC00, s31;
	s0 =	sand.u32 $0x3F80, s30;
	_ =	swait.ge [sflag:s24], $0x2000  }
0x39: {  	s1 =	sand.u32 $0xFFE0000, s31;
	s0 =	sadd.s32 s3, s0;
	[sflag:s24] =	ssyncset.done $0x0  }
0x3a: {  	s0 =	sadd.s32 s1, s0;
	[sflag:s24] =	ssyncadd.s32 $0xFFFFE000  }
0x3b: {  	[hbm4b:s0+s16] =	stream.strided.scatter [tilespmem:s21], [sflag:$0x4], $0x2000, s17, s16, $0x38;
	[tilespmem:$0x12400] =	vst v63  }
.Ltmp3:
0x3c: {  	(pc) =	sbr.rel .LBB2_2-.Ltmp3, $4  }
0x3d: {  	_ = 	snop  }
0x3e: {  	s0 =	sshra.s32 s26, $0x2  }
0x3f: {  	s26 =	sadd.s32 $0x400, s26;
	s0 =	sadd.s32 $0x280, s0  }
0x40: {  	[tilespmem:s14], [sflag:$0x2] =	stream.indirect.gather [hbm4b:s2+s12], $0x80, s0, s12, $0xb8;
	[tilespmem:$0x12400] =	vst v63  }
.LBB2_5:
0x41: {  	_ =	sfence.sel $0x180000  }
0x42: {  	[bflag:$0x0] =	sbarrier.arrive $0xFFFF  }
0x43: {  	_ =	strace $0x90000047  }
0x44: {  	s0 =	stileid.u32;
	[bflag:$0x2] =	sbarrier.arrive $0xFFFF  }
0x45: {  	p0 =	sne.s32 s0, $0x0;
	s0 =	rddreg [dreg:$0x3]  }
0x46: {  	s0 =	sadd.s32 @!p0 $0x100000, s0  }
0x47: {  	[sflag:s0] =	ssyncadd.tile.s32 @!p0 $0x1;
	_ =	shalt  }
.Lfunc_end2:
_tile_overlayer_lowered:
.L_overlay_start_2:
0x48: {  	(tag) =	ssettag $0x2  }
0x49: {  	s0 =	rddreg [dreg:$0x0];
	s2 =	stileid.u32  }
0x4a: {  	s1 =	rddreg [dreg:$0x1];
	p0 =	sne.s32 s2, $0x0  }
0x4b: {  	s3 =	rddreg [dreg:$0x2];
	[bflag:$0x3] =	sbarrier.arrive $0xFFFF;
	s2 =	simm.s32 @!p0 $0x1C05  }
0x4c: {  	[timem:s3], [sflag:s2] =	dma.local @!p0 [hbm:s0], s1  }
0x4d: {  	s0 =	simm.s32 @!p0 $0x5  }
0x4e: {  	_ =	swait.ge @!p0 [sflag:s0], s1  }
0x4f: {  	s1 =	ssub.s32 @!p0 $0x0, s1;
	[sflag:s0] =	ssyncset.done @!p0 $0x0  }
0x50: {  	[sflag:s0] =	ssyncadd.s32 @!p0 s1  }
0x51: {  	[bflag:$0x3] =	sbarrier.arrive $0xFFFF  }
0x52: {  	_ =	shalt  }

</sc_bundles>
